<compile_context>
chip_gen: v7x
topology: tpu7x:2x2x1
jax: 0.10.2.dev20260603
libtpu: 0.0.44.dev20260713+nightly
codegen_flags: <defaults>
</compile_context>

<pallas_src>
import functools

import jax
import jax.numpy as jnp
from jax import lax
from jax.experimental import pallas as pl
from jax.experimental.pallas import tpu as pltpu
from jax.experimental.pallas import tpu_sc as plsc

N_NODES = 10000
N_EDGES = 320000
D = 128
BIAS = 1e-4

NC = 2
NS = 16
NW = NC * NS
LANES = 16
EPW = 10240
LAST_BASE = N_EDGES - EPW
NCH = 1
CHUNK = EPW // NCH

GRID = 5
G_PAD = 10240
RN = G_PAD // GRID


def _node_body(f_ref, w1_ref, b1_ref, w2_ref, b2_ref, g_ref):
    i = pl.program_id(0)
    x = jnp.dot(f_ref[...], w1_ref[...], preferred_element_type=jnp.float32)
    h = jnp.maximum(x + b1_ref[...], 0.0)
    wv = (w2_ref[0:1, :] + w2_ref[1:2, :]) * 0.5
    gv = lax.dot_general(wv, h, (((1,), (1,)), ((), ())),
                         preferred_element_type=jnp.float32)
    g_ref[pl.ds(i * RN, RN)] = -gv[0] - b2_ref[0, 0] * 0.5


def _node_scores(features, W1, b1r, W2r, b2r):
    return pl.pallas_call(
        _node_body,
        grid=(GRID,),
        in_specs=[
            pl.BlockSpec((RN, D), lambda i: (i, 0)),
            pl.BlockSpec((D, D), lambda i: (0, 0)),
            pl.BlockSpec((1, D), lambda i: (0, 0)),
            pl.BlockSpec((2, D), lambda i: (0, 0)),
            pl.BlockSpec(memory_space=pltpu.SMEM),
        ],
        out_specs=pl.BlockSpec((G_PAD,), lambda i: (0,)),
        out_shape=jax.ShapeDtypeStruct((G_PAD,), jnp.float32),
    )(features, W1, b1r, W2r, b2r)


@functools.cache
def _make_edge_kernel():
    mesh = plsc.VectorSubcoreMesh(core_axis_name="c", subcore_axis_name="s")

    @functools.partial(
        pl.kernel,
        mesh=mesh,
        compiler_params=pltpu.CompilerParams(needs_layout_passes=False),
        out_type=(
            jax.ShapeDtypeStruct((N_EDGES,), jnp.float32),
            jax.ShapeDtypeStruct((N_EDGES,), jnp.float32),
        ),
        scratch_types=[
            pltpu.VMEM((G_PAD,), jnp.float32),
            pltpu.VMEM((2, 2, CHUNK), jnp.int32),
            pltpu.VMEM((2, CHUNK), jnp.float32),
            pltpu.VMEM((2, CHUNK), jnp.float32),
            pltpu.VMEM((2, CHUNK), jnp.float32),
        ] + [pltpu.SemaphoreType.DMA] * 5,
    )
    def edge_kernel(g_hbm, e_hbm, u_hbm, lp_hbm, hp_hbm,
                    g_v, ed_v, u_v, lp_v, hp_v,
                    semg, semi0, semi1, semo0, semo1):
        wid = lax.axis_index("s") * NC + lax.axis_index("c")
        base = jnp.minimum(wid * EPW, LAST_BASE)
        semi = (semi0, semi1)
        semo = (semo0, semo1)

        cg = pltpu.async_copy(g_hbm, g_v, semg)

        def fire_in(i):
            b = i % 2
            off = base + i * CHUNK
            ce = pltpu.async_copy(e_hbm.at[:, pl.ds(off, CHUNK)],
                                  ed_v.at[b], semi[b])
            cu = pltpu.async_copy(u_hbm.at[pl.ds(off, CHUNK)],
                                  u_v.at[b], semi[b])
            return ce, cu

        pend_in = {0: fire_in(0)}
        pend_out = {}
        for i in range(NCH):
            if i + 1 < NCH:
                pend_in[i + 1] = fire_in(i + 1)
            if i == 0:
                cg.wait()
            for c in pend_in.pop(i):
                c.wait()
            if i >= 2:
                for c in pend_out.pop(i - 2):
                    c.wait()
            b = i % 2

            @plsc.parallel_loop(0, CHUNK, step=LANES, unroll=8)
            def _(o, b=b):
                gs = plsc.load_gather(g_v, [ed_v[b, 0, pl.ds(o, LANES)]])
                gd = plsc.load_gather(g_v, [ed_v[b, 1, pl.ds(o, LANES)]])
                uu = u_v[b, pl.ds(o, LANES)]
                p = uu * (1.0 - BIAS * 2.0)
                num = p + BIAS
                den = (1.0 - BIAS) - p
                e = jnp.exp(gs + gd)
                lp = den / (den + num * e)
                lp_v[b, pl.ds(o, LANES)] = lp
                hp_v[b, pl.ds(o, LANES)] = 1.0 - lp

            off = base + i * CHUNK
            ol = pltpu.async_copy(lp_v.at[b], lp_hbm.at[pl.ds(off, CHUNK)],
                                  semo[b])
            oh = pltpu.async_copy(hp_v.at[b], hp_hbm.at[pl.ds(off, CHUNK)],
                                  semo[b])
            pend_out[i] = (ol, oh)
        for i in sorted(pend_out):
            for c in pend_out[i]:
                c.wait()

    return edge_kernel


def kernel(features, edges, u, W1, b1, W2, b2):
    g = _node_scores(features, W1, b1.reshape(1, D),
                     W2.reshape(2, D), b2.reshape(1, 1))
    lp, hp = _make_edge_kernel()(g, edges, u)
    return (lp, hp)

# --- scband reference (transcript-rebuilt; emitter-appended) ---
"""Pipeline reference for scband-edge-discriminator-72859825210006 (READ-ONLY COPY).

The authoritative reference and input builder live on the scoring server;
editing this copy changes nothing except your own understanding.
"""

import jax, jax.numpy as jnp
import numpy as np

TEMPERATURE = 1.0
BIAS = 1e-4

N_NODES = 10000
N_EDGES = 320000
D_IN = 128
D_HID = 128


def setup_inputs(seed: int = 0) -> dict:
    key = jax.random.key(seed)
    k1, k2, k3, k4, k5 = jax.random.split(key, 5)
    features = jax.random.normal(k1, (N_NODES, D_IN), dtype=jnp.float32)
    edges = jax.random.randint(k2, (2, N_EDGES), 0, N_NODES, dtype=jnp.int32)
    # gumbel noise (torch.rand equivalent), materialized as an input for determinism
    u = jax.random.uniform(k3, (N_EDGES,), dtype=jnp.float32)
    # learned parameters
    W1 = jax.random.normal(k4, (D_IN, D_HID), dtype=jnp.float32) * 0.05
    b1 = jnp.zeros((D_HID,), dtype=jnp.float32)
    W2 = jax.random.normal(k5, (2 * D_HID,), dtype=jnp.float32) * 0.05
    b2 = jnp.zeros((), dtype=jnp.float32)
    return {"features": features, "edges": edges, "u": u, "W1": W1, "b1": b1, "W2": W2, "b2": b2}


def reference(features, edges, u, W1, b1, W2, b2):
    # get_node_embedding: single Linear + ReLU
    h = jax.nn.relu(features @ W1 + b1)
    # get_edge_weight: symmetric edge MLP scoring (gather-heavy)
    src = jnp.take(h, edges[0], axis=0)
    dst = jnp.take(h, edges[1], axis=0)
    s1 = jnp.concatenate((src, dst), axis=1) @ W2 + b2
    s2 = jnp.concatenate((dst, src), axis=1) @ W2 + b2
    edges_weights_raw = (s1 + s2) / 2.0
    # gumbel_sampling
    eps = (BIAS - (1.0 - BIAS)) * u + (1.0 - BIAS)
    gate_inputs = jnp.log(eps) - jnp.log(1.0 - eps)
    gate_inputs = (gate_inputs + edges_weights_raw) / TEMPERATURE
    weights_lp = jax.nn.sigmoid(gate_inputs)
    weights_hp = 1.0 - weights_lp
    return (weights_lp, weights_hp)

if __name__ == "__main__":
    import jax
    _d = setup_inputs()
    print(jax.jit(kernel)(*tuple(_d.values())))

</pallas_src>

<mosaic_0001>
#map = affine_map<(d0, d1) -> (0)>
#map1 = affine_map<(d0, d1) -> (0, 0)>
module attributes {stable_mosaic.version = 14 : i64} {
  func.func @edge_kernel(%arg0: i32, %arg1: i32, %arg2: memref<10240xf32, #tpu.memory_space<hbm>>, %arg3: memref<2x320000xi32, #tpu.memory_space<hbm>>, %arg4: memref<320000xf32, #tpu.memory_space<hbm>>, %arg5: memref<320000xf32, #tpu.memory_space<hbm>>, %arg6: memref<320000xf32, #tpu.memory_space<hbm>>, %arg7: memref<10240xf32, #tpu.memory_space<vmem>>, %arg8: memref<2x2x10240xi32, #tpu.memory_space<vmem>>, %arg9: memref<2x10240xf32, #tpu.memory_space<vmem>>, %arg10: memref<2x10240xf32, #tpu.memory_space<vmem>>, %arg11: memref<2x10240xf32, #tpu.memory_space<vmem>>, %arg12: memref<!tpu.dma_semaphore, #tpu.memory_space<semaphore_mem>>, %arg13: memref<!tpu.dma_semaphore, #tpu.memory_space<semaphore_mem>>, %arg14: memref<!tpu.dma_semaphore, #tpu.memory_space<semaphore_mem>>, %arg15: memref<!tpu.dma_semaphore, #tpu.memory_space<semaphore_mem>>, %arg16: memref<!tpu.dma_semaphore, #tpu.memory_space<semaphore_mem>>) attributes {dimension_semantics = [#tpu.dimension_semantics<core_parallel>, #tpu.dimension_semantics<subcore_parallel>], iteration_bounds = array<i64: 2, 16>, scalar_prefetch = 0 : i64, scratch_operands = 10 : i64, tpu.core_type = #tpu.core_type<sc_vector_subcore>, window_params = [{transform_indices = #map}, {transform_indices = #map1}, {transform_indices = #map}, {transform_indices = #map}, {transform_indices = #map}]} {
    %mul3A = arith.constant 2 : i32
    %mul3A_0 = arith.muli %arg1, %mul3A : i32
    %add3A = arith.addi %mul3A_0, %arg0 : i32
    %mul3A_1 = arith.constant 10240 : i32
    %mul3A_2 = arith.muli %add3A, %mul3A_1 : i32
    %min3A = arith.constant 309760 : i32
    %min3A_3 = arith.minsi %mul3A_2, %min3A : i32
    tpu.enqueue_dma source(%arg2 : memref<10240xf32, #tpu.memory_space<hbm>>) target(%arg7 : memref<10240xf32, #tpu.memory_space<vmem>>) target_semaphore(%arg12 : memref<!tpu.dma_semaphore, #tpu.memory_space<semaphore_mem>>)
    %add3A_4 = arith.constant 0 : i32
    %add3A_5 = arith.addi %min3A_3, %add3A_4 : i32
    %dma_start3A = arith.constant 0 : i32
    %dma_start3A_6 = arith.constant 0 : i32
    %dma_start3A_7 = arith.constant 0 : i32
    %dma_start3A_8 = tpu.memref_slice %arg8[%dma_start3A, %dma_start3A_6, %dma_start3A_7] : memref<2x2x10240xi32, #tpu.memory_space<vmem>> -> memref<1x2x10240xi32, #tpu.memory_space<vmem>>
    %dma_start3A_9 = tpu.memref_squeeze %dma_start3A_8 : memref<1x2x10240xi32, #tpu.memory_space<vmem>> -> memref<2x10240xi32, #tpu.memory_space<vmem>>
    %dma_start3A_10 = arith.constant 0 : i32
    %dma_start3A_11 = tpu.memref_slice %arg3[%dma_start3A_10, %add3A_5] : memref<2x320000xi32, #tpu.memory_space<hbm>> -> memref<2x10240xi32, #tpu.memory_space<hbm>>
    %dma_start3A_12 = arith.constant 0 : i32
    %dma_start3A_13 = arith.constant 0 : i32
    %dma_start3A_14 = tpu.memref_slice %arg8[%dma_start3A, %dma_start3A_12, %dma_start3A_13] : memref<2x2x10240xi32, #tpu.memory_space<vmem>> -> memref<1x2x10240xi32, #tpu.memory_space<vmem>>
    %dma_start3A_15 = tpu.memref_squeeze %dma_start3A_14 : memref<1x2x10240xi32, #tpu.memory_space<vmem>> -> memref<2x10240xi32, #tpu.memory_space<vmem>>
    %dma_start3A_16 = arith.constant 0 : i32
    %dma_start3A_17 = tpu.memref_slice %arg3[%dma_start3A_16, %add3A_5] : memref<2x320000xi32, #tpu.memory_space<hbm>> -> memref<2x10240xi32, #tpu.memory_space<hbm>>
    tpu.enqueue_dma source(%dma_start3A_17 : memref<2x10240xi32, #tpu.memory_space<hbm>>) target(%dma_start3A_15 : memref<2x10240xi32, #tpu.memory_space<vmem>>) target_semaphore(%arg13 : memref<!tpu.dma_semaphore, #tpu.memory_space<semaphore_mem>>)
    %dma_start3A_18 = arith.constant 0 : i32
    %dma_start3A_19 = arith.constant 0 : i32
    %dma_start3A_20 = tpu.memref_slice %arg9[%dma_start3A_18, %dma_start3A_19] : memref<2x10240xf32, #tpu.memory_space<vmem>> -> memref<1x10240xf32, #tpu.memory_space<vmem>>
    %dma_start3A_21 = tpu.memref_squeeze %dma_start3A_20 : memref<1x10240xf32, #tpu.memory_space<vmem>> -> memref<10240xf32, #tpu.memory_space<vmem>>
    %dma_start3A_22 = tpu.memref_slice %arg4[%add3A_5] : memref<320000xf32, #tpu.memory_space<hbm>> -> memref<10240xf32, #tpu.memory_space<hbm>>
    %dma_start3A_23 = arith.constant 0 : i32
    %dma_start3A_24 = tpu.memref_slice %arg9[%dma_start3A_18, %dma_start3A_23] : memref<2x10240xf32, #tpu.memory_space<vmem>> -> memref<1x10240xf32, #tpu.memory_space<vmem>>
    %dma_start3A_25 = tpu.memref_squeeze %dma_start3A_24 : memref<1x10240xf32, #tpu.memory_space<vmem>> -> memref<10240xf32, #tpu.memory_space<vmem>>
    %dma_start3A_26 = tpu.memref_slice %arg4[%add3A_5] : memref<320000xf32, #tpu.memory_space<hbm>> -> memref<10240xf32, #tpu.memory_space<hbm>>
    tpu.enqueue_dma source(%dma_start3A_26 : memref<10240xf32, #tpu.memory_space<hbm>>) target(%dma_start3A_25 : memref<10240xf32, #tpu.memory_space<vmem>>) target_semaphore(%arg13 : memref<!tpu.dma_semaphore, #tpu.memory_space<semaphore_mem>>)
    tpu.wait_dma2 semaphore(%arg12 : memref<!tpu.dma_semaphore, #tpu.memory_space<semaphore_mem>>) src(%arg2 : memref<10240xf32, #tpu.memory_space<hbm>>) dst(%arg7 : memref<10240xf32, #tpu.memory_space<vmem>>)
    %dma_wait3A = arith.constant 0 : i32
    %dma_wait3A_27 = arith.constant 0 : i32
    %dma_wait3A_28 = arith.constant 0 : i32
    %dma_wait3A_29 = tpu.memref_slice %arg8[%dma_wait3A, %dma_wait3A_27, %dma_wait3A_28] : memref<2x2x10240xi32, #tpu.memory_space<vmem>> -> memref<1x2x10240xi32, #tpu.memory_space<vmem>>
    %dma_wait3A_30 = tpu.memref_squeeze %dma_wait3A_29 : memref<1x2x10240xi32, #tpu.memory_space<vmem>> -> memref<2x10240xi32, #tpu.memory_space<vmem>>
    %dma_wait3A_31 = arith.constant 0 : i32
    %dma_wait3A_32 = tpu.memref_slice %arg3[%dma_wait3A_31, %add3A_5] : memref<2x320000xi32, #tpu.memory_space<hbm>> -> memref<2x10240xi32, #tpu.memory_space<hbm>>
    %dma_wait3A_33 = arith.constant 0 : i32
    %dma_wait3A_34 = arith.constant 0 : i32
    %dma_wait3A_35 = tpu.memref_slice %arg8[%dma_wait3A, %dma_wait3A_33, %dma_wait3A_34] : memref<2x2x10240xi32, #tpu.memory_space<vmem>> -> memref<1x2x10240xi32, #tpu.memory_space<vmem>>
    %dma_wait3A_36 = tpu.memref_squeeze %dma_wait3A_35 : memref<1x2x10240xi32, #tpu.memory_space<vmem>> -> memref<2x10240xi32, #tpu.memory_space<vmem>>
    %dma_wait3A_37 = arith.constant 0 : i32
    %dma_wait3A_38 = tpu.memref_slice %arg3[%dma_wait3A_37, %add3A_5] : memref<2x320000xi32, #tpu.memory_space<hbm>> -> memref<2x10240xi32, #tpu.memory_space<hbm>>
    tpu.wait_dma2 semaphore(%arg13 : memref<!tpu.dma_semaphore, #tpu.memory_space<semaphore_mem>>) src(%dma_wait3A_38 : memref<2x10240xi32, #tpu.memory_space<hbm>>) dst(%dma_wait3A_36 : memref<2x10240xi32, #tpu.memory_space<vmem>>)
    %dma_wait3A_39 = arith.constant 0 : i32
    %dma_wait3A_40 = arith.constant 0 : i32
    %dma_wait3A_41 = tpu.memref_slice %arg9[%dma_wait3A_39, %dma_wait3A_40] : memref<2x10240xf32, #tpu.memory_space<vmem>> -> memref<1x10240xf32, #tpu.memory_space<vmem>>
    %dma_wait3A_42 = tpu.memref_squeeze %dma_wait3A_41 : memref<1x10240xf32, #tpu.memory_space<vmem>> -> memref<10240xf32, #tpu.memory_space<vmem>>
    %dma_wait3A_43 = tpu.memref_slice %arg4[%add3A_5] : memref<320000xf32, #tpu.memory_space<hbm>> -> memref<10240xf32, #tpu.memory_space<hbm>>
    %dma_wait3A_44 = arith.constant 0 : i32
    %dma_wait3A_45 = tpu.memref_slice %arg9[%dma_wait3A_39, %dma_wait3A_44] : memref<2x10240xf32, #tpu.memory_space<vmem>> -> memref<1x10240xf32, #tpu.memory_space<vmem>>
    %dma_wait3A_46 = tpu.memref_squeeze %dma_wait3A_45 : memref<1x10240xf32, #tpu.memory_space<vmem>> -> memref<10240xf32, #tpu.memory_space<vmem>>
    %dma_wait3A_47 = tpu.memref_slice %arg4[%add3A_5] : memref<320000xf32, #tpu.memory_space<hbm>> -> memref<10240xf32, #tpu.memory_space<hbm>>
    tpu.wait_dma2 semaphore(%arg13 : memref<!tpu.dma_semaphore, #tpu.memory_space<semaphore_mem>>) src(%dma_wait3A_47 : memref<10240xf32, #tpu.memory_space<hbm>>) dst(%dma_wait3A_46 : memref<10240xf32, #tpu.memory_space<vmem>>)
    %parallel_loop3A = arith.constant 0 : i32
    %parallel_loop3A_48 = arith.constant 10240 : i32
    %parallel_loop3A_49 = arith.constant 16 : i32
    scf.for %parallel_loop3A_88 = %parallel_loop3A to %parallel_loop3A_48 step %parallel_loop3A_49  : i32 {
      %parallel_loop3A_89 = arith.constant 0 : i32
      %parallel_loop3A_90 = arith.constant 0 : i32
      %parallel_loop3A_91 = arith.index_cast %parallel_loop3A_89 : i32 to index
      %parallel_loop3A_92 = arith.index_cast %parallel_loop3A_90 : i32 to index
      %parallel_loop3A_93 = arith.index_cast %parallel_loop3A_88 : i32 to index
      %parallel_loop3A_94 = tpu.vector_load %arg8[%parallel_loop3A_91, %parallel_loop3A_92, %parallel_loop3A_93] {strides = array<i32>} : memref<2x2x10240xi32, #tpu.memory_space<vmem>>, vector<16xi32>,
      %parallel_loop3A_95 = tpu.vector_load_idx %arg7[%parallel_loop3A_94] : memref<10240xf32, #tpu.memory_space<vmem>>[vector<16xi32>], vector<16xf32>,
      %parallel_loop3A_96 = arith.constant 0 : i32
      %parallel_loop3A_97 = arith.constant 1 : i32
      %parallel_loop3A_98 = arith.index_cast %parallel_loop3A_96 : i32 to index
      %parallel_loop3A_99 = arith.index_cast %parallel_loop3A_97 : i32 to index
      %parallel_loop3A_100 = arith.index_cast %parallel_loop3A_88 : i32 to index
      %parallel_loop3A_101 = tpu.vector_load %arg8[%parallel_loop3A_98, %parallel_loop3A_99, %parallel_loop3A_100] {strides = array<i32>} : memref<2x2x10240xi32, #tpu.memory_space<vmem>>, vector<16xi32>,
      %parallel_loop3A_102 = tpu.vector_load_idx %arg7[%parallel_loop3A_101] : memref<10240xf32, #tpu.memory_space<vmem>>[vector<16xi32>], vector<16xf32>,
      %parallel_loop3A_103 = arith.constant 0 : i32
      %parallel_loop3A_104 = arith.index_cast %parallel_loop3A_103 : i32 to index
      %parallel_loop3A_105 = arith.index_cast %parallel_loop3A_88 : i32 to index
      %parallel_loop3A_106 = tpu.vector_load %arg9[%parallel_loop3A_104, %parallel_loop3A_105] {strides = array<i32>} : memref<2x10240xf32, #tpu.memory_space<vmem>>, vector<16xf32>,
      %parallel_loop3A_107 = arith.constant 9.998000e-01 : f32
      %parallel_loop3A_108 = vector.broadcast %parallel_loop3A_107 : f32 to vector<16xf32>
      %parallel_loop3A_109 = arith.mulf %parallel_loop3A_106, %parallel_loop3A_108 : vector<16xf32>
      %parallel_loop3A_110 = arith.constant 9.99999974E-5 : f32
      %parallel_loop3A_111 = vector.broadcast %parallel_loop3A_110 : f32 to vector<16xf32>
      %parallel_loop3A_112 = arith.addf %parallel_loop3A_109, %parallel_loop3A_111 : vector<16xf32>
      %parallel_loop3A_113 = arith.constant 0.999899983 : f32
      %parallel_loop3A_114 = vector.broadcast %parallel_loop3A_113 : f32 to vector<16xf32>
      %parallel_loop3A_115 = arith.subf %parallel_loop3A_114, %parallel_loop3A_109 : vector<16xf32>
      %parallel_loop3A_116 = arith.addf %parallel_loop3A_95, %parallel_loop3A_102 : vector<16xf32>
      %parallel_loop3A_117 = math.exp %parallel_loop3A_116 : vector<16xf32>
      %parallel_loop3A_118 = arith.mulf %parallel_loop3A_112, %parallel_loop3A_117 : vector<16xf32>
      %parallel_loop3A_119 = arith.addf %parallel_loop3A_115, %parallel_loop3A_118 : vector<16xf32>
      %parallel_loop3A_120 = arith.divf %parallel_loop3A_115, %parallel_loop3A_119 : vector<16xf32>
      %parallel_loop3A_121 = arith.constant 0 : i32
      %parallel_loop3A_122 = arith.index_cast %parallel_loop3A_121 : i32 to index
      %parallel_loop3A_123 = arith.index_cast %parallel_loop3A_88 : i32 to index
      %parallel_loop3A_124 = tpu.vector_load %arg10[%parallel_loop3A_122, %parallel_loop3A_123] {strides = array<i32>} : memref<2x10240xf32, #tpu.memory_space<vmem>>, vector<16xf32>,
      tpu.vector_store %arg10[%parallel_loop3A_122, %parallel_loop3A_123], %parallel_loop3A_120 {strides = array<i32>} : memref<2x10240xf32, #tpu.memory_space<vmem>>, vector<16xf32>,
      %parallel_loop3A_125 = arith.constant 1.000000e+00 : f32
      %parallel_loop3A_126 = vector.broadcast %parallel_loop3A_125 : f32 to vector<16xf32>
      %parallel_loop3A_127 = arith.subf %parallel_loop3A_126, %parallel_loop3A_120 : vector<16xf32>
      %parallel_loop3A_128 = arith.constant 0 : i32
      %parallel_loop3A_129 = arith.index_cast %parallel_loop3A_128 : i32 to index
      %parallel_loop3A_130 = arith.index_cast %parallel_loop3A_88 : i32 to index
      %parallel_loop3A_131 = tpu.vector_load %arg11[%parallel_loop3A_129, %parallel_loop3A_130] {strides = array<i32>} : memref<2x10240xf32, #tpu.memory_space<vmem>>, vector<16xf32>,
      tpu.vector_store %arg11[%parallel_loop3A_129, %parallel_loop3A_130], %parallel_loop3A_127 {strides = array<i32>} : memref<2x10240xf32, #tpu.memory_space<vmem>>, vector<16xf32>,
    } {sc.loop_unroll_factor = 8 : i64, sc.parallel_access}
    %add3A_50 = arith.constant 0 : i32
    %add3A_51 = arith.addi %min3A_3, %add3A_50 : i32
    %dma_start3A_52 = arith.constant 0 : i32
    %dma_start3A_53 = arith.constant 0 : i32
    %dma_start3A_54 = tpu.memref_slice %arg10[%dma_start3A_52, %dma_start3A_53] : memref<2x10240xf32, #tpu.memory_space<vmem>> -> memref<1x10240xf32, #tpu.memory_space<vmem>>
    %dma_start3A_55 = tpu.memref_squeeze %dma_start3A_54 : memref<1x10240xf32, #tpu.memory_space<vmem>> -> memref<10240xf32, #tpu.memory_space<vmem>>
    %dma_start3A_56 = tpu.memref_slice %arg5[%add3A_51] : memref<320000xf32, #tpu.memory_space<hbm>> -> memref<10240xf32, #tpu.memory_space<hbm>>
    %dma_start3A_57 = tpu.memref_slice %arg5[%add3A_51] : memref<320000xf32, #tpu.memory_space<hbm>> -> memref<10240xf32, #tpu.memory_space<hbm>>
    %dma_start3A_58 = arith.constant 0 : i32
    %dma_start3A_59 = tpu.memref_slice %arg10[%dma_start3A_52, %dma_start3A_58] : memref<2x10240xf32, #tpu.memory_space<vmem>> -> memref<1x10240xf32, #tpu.memory_space<vmem>>
    %dma_start3A_60 = tpu.memref_squeeze %dma_start3A_59 : memref<1x10240xf32, #tpu.memory_space<vmem>> -> memref<10240xf32, #tpu.memory_space<vmem>>
    tpu.enqueue_dma source(%dma_start3A_60 : memref<10240xf32, #tpu.memory_space<vmem>>) target(%dma_start3A_57 : memref<10240xf32, #tpu.memory_space<hbm>>) target_semaphore(%arg15 : memref<!tpu.dma_semaphore, #tpu.memory_space<semaphore_mem>>)
    %dma_start3A_61 = arith.constant 0 : i32
    %dma_start3A_62 = arith.constant 0 : i32
    %dma_start3A_63 = tpu.memref_slice %arg11[%dma_start3A_61, %dma_start3A_62] : memref<2x10240xf32, #tpu.memory_space<vmem>> -> memref<1x10240xf32, #tpu.memory_space<vmem>>
    %dma_start3A_64 = tpu.memref_squeeze %dma_start3A_63 : memref<1x10240xf32, #tpu.memory_space<vmem>> -> memref<10240xf32, #tpu.memory_space<vmem>>
    %dma_start3A_65 = tpu.memref_slice %arg6[%add3A_51] : memref<320000xf32, #tpu.memory_space<hbm>> -> memref<10240xf32, #tpu.memory_space<hbm>>
    %dma_start3A_66 = tpu.memref_slice %arg6[%add3A_51] : memref<320000xf32, #tpu.memory_space<hbm>> -> memref<10240xf32, #tpu.memory_space<hbm>>
    %dma_start3A_67 = arith.constant 0 : i32
    %dma_start3A_68 = tpu.memref_slice %arg11[%dma_start3A_61, %dma_start3A_67] : memref<2x10240xf32, #tpu.memory_space<vmem>> -> memref<1x10240xf32, #tpu.memory_space<vmem>>
    %dma_start3A_69 = tpu.memref_squeeze %dma_start3A_68 : memref<1x10240xf32, #tpu.memory_space<vmem>> -> memref<10240xf32, #tpu.memory_space<vmem>>
    tpu.enqueue_dma source(%dma_start3A_69 : memref<10240xf32, #tpu.memory_space<vmem>>) target(%dma_start3A_66 : memref<10240xf32, #tpu.memory_space<hbm>>) target_semaphore(%arg15 : memref<!tpu.dma_semaphore, #tpu.memory_space<semaphore_mem>>)
    %dma_wait3A_70 = arith.constant 0 : i32
    %dma_wait3A_71 = arith.constant 0 : i32
    %dma_wait3A_72 = tpu.memref_slice %arg10[%dma_wait3A_70, %dma_wait3A_71] : memref<2x10240xf32, #tpu.memory_space<vmem>> -> memref<1x10240xf32, #tpu.memory_space<vmem>>
    %dma_wait3A_73 = tpu.memref_squeeze %dma_wait3A_72 : memref<1x10240xf32, #tpu.memory_space<vmem>> -> memref<10240xf32, #tpu.memory_space<vmem>>
    %dma_wait3A_74 = tpu.memref_slice %arg5[%add3A_51] : memref<320000xf32, #tpu.memory_space<hbm>> -> memref<10240xf32, #tpu.memory_space<hbm>>
    %dma_wait3A_75 = tpu.memref_slice %arg5[%add3A_51] : memref<320000xf32, #tpu.memory_space<hbm>> -> memref<10240xf32, #tpu.memory_space<hbm>>
    %dma_wait3A_76 = arith.constant 0 : i32
    %dma_wait3A_77 = tpu.memref_slice %arg10[%dma_wait3A_70, %dma_wait3A_76] : memref<2x10240xf32, #tpu.memory_space<vmem>> -> memref<1x10240xf32, #tpu.memory_space<vmem>>
    %dma_wait3A_78 = tpu.memref_squeeze %dma_wait3A_77 : memref<1x10240xf32, #tpu.memory_space<vmem>> -> memref<10240xf32, #tpu.memory_space<vmem>>
    tpu.wait_dma2 semaphore(%arg15 : memref<!tpu.dma_semaphore, #tpu.memory_space<semaphore_mem>>) src(%dma_wait3A_78 : memref<10240xf32, #tpu.memory_space<vmem>>) dst(%dma_wait3A_75 : memref<10240xf32, #tpu.memory_space<hbm>>)
    %dma_wait3A_79 = arith.constant 0 : i32
    %dma_wait3A_80 = arith.constant 0 : i32
    %dma_wait3A_81 = tpu.memref_slice %arg11[%dma_wait3A_79, %dma_wait3A_80] : memref<2x10240xf32, #tpu.memory_space<vmem>> -> memref<1x10240xf32, #tpu.memory_space<vmem>>
    %dma_wait3A_82 = tpu.memref_squeeze %dma_wait3A_81 : memref<1x10240xf32, #tpu.memory_space<vmem>> -> memref<10240xf32, #tpu.memory_space<vmem>>
    %dma_wait3A_83 = tpu.memref_slice %arg6[%add3A_51] : memref<320000xf32, #tpu.memory_space<hbm>> -> memref<10240xf32, #tpu.memory_space<hbm>>
    %dma_wait3A_84 = tpu.memref_slice %arg6[%add3A_51] : memref<320000xf32, #tpu.memory_space<hbm>> -> memref<10240xf32, #tpu.memory_space<hbm>>
    %dma_wait3A_85 = arith.constant 0 : i32
    %dma_wait3A_86 = tpu.memref_slice %arg11[%dma_wait3A_79, %dma_wait3A_85] : memref<2x10240xf32, #tpu.memory_space<vmem>> -> memref<1x10240xf32, #tpu.memory_space<vmem>>
    %dma_wait3A_87 = tpu.memref_squeeze %dma_wait3A_86 : memref<1x10240xf32, #tpu.memory_space<vmem>> -> memref<10240xf32, #tpu.memory_space<vmem>>
    tpu.wait_dma2 semaphore(%arg15 : memref<!tpu.dma_semaphore, #tpu.memory_space<semaphore_mem>>) src(%dma_wait3A_87 : memref<10240xf32, #tpu.memory_space<vmem>>) dst(%dma_wait3A_84 : memref<10240xf32, #tpu.memory_space<hbm>>)
    return
  }
}

module attributes {stable_mosaic.version = 14 : i64} {
  func.func @_node_body(%arg0: i32, %arg1: memref<2048x128xf32, #tpu.memory_space<vmem>>, %arg2: memref<128x128xf32, #tpu.memory_space<vmem>>, %arg3: memref<1x128xf32, #tpu.memory_space<vmem>>, %arg4: memref<2x128xf32, #tpu.memory_space<vmem>>, %arg5: memref<1x1xf32, #tpu.memory_space<smem>>, %arg6: memref<10240xf32, #tpu.memory_space<vmem>>) attributes {dimension_semantics = [#tpu.dimension_semantics<arbitrary>], iteration_bounds = array<i64: 5>, scalar_prefetch = 0 : i64, scratch_operands = 0 : i64, tpu.core_type = #tpu.core_type<tc>, window_params = [{transform_indices = @transform_0, window_bounds = array<i64: 2048, 128>}, {pipeline_mode = #tpu.pipeline_mode<synchronous>, transform_indices = @transform_1, window_bounds = array<i64: 128, 128>}, {pipeline_mode = #tpu.pipeline_mode<synchronous>, transform_indices = @transform_2, window_bounds = array<i64: 1, 128>}, {pipeline_mode = #tpu.pipeline_mode<synchronous>, transform_indices = @transform_3, window_bounds = array<i64: 2, 128>}, {transform_indices = @transform_4, window_bounds = array<i64: 1, 1>}, {pipeline_mode = #tpu.pipeline_mode<synchronous>, transform_indices = @transform_5, window_bounds = array<i64: 10240>}]} {
    %get3A = arith.constant 0 : index
    %get3A_0 = arith.constant 0 : index
    %get3A_1 = vector.load %arg1[%get3A, %get3A_0] : memref<2048x128xf32, #tpu.memory_space<vmem>>, vector<2048x128xf32>
    %get3A_2 = arith.constant 0 : index
    %get3A_3 = arith.constant 0 : index
    %get3A_4 = vector.load %arg2[%get3A_2, %get3A_3] : memref<128x128xf32, #tpu.memory_space<vmem>>, vector<128x128xf32>
    %dot_general3A = arith.constant dense<0.000000e+00> : vector<2048x128xf32>
    %dot_general3A_5 = tpu.matmul %get3A_1, %get3A_4, %dot_general3A {dimension_numbers = #tpu.dot_dimension_numbers<[1], [0], [0], [1], [0, 0, 1, 1], [], []>, transpose_lhs_hint = false} : vector<2048x128xf32>, vector<128x128xf32>, vector<2048x128xf32> -> vector<2048x128xf32>
    %get3A_6 = arith.constant 0 : index
    %get3A_7 = arith.constant 0 : index
    %get3A_8 = vector.load %arg3[%get3A_6, %get3A_7] : memref<1x128xf32, #tpu.memory_space<vmem>>, vector<1x128xf32>
    %add3A = vector.broadcast %get3A_8 : vector<1x128xf32> to vector<2048x128xf32>
    %add3A_9 = arith.addf %dot_general3A_5, %add3A : vector<2048x128xf32>
    %max3A = arith.constant 0.000000e+00 : f32
    %max3A_10 = vector.broadcast %max3A : f32 to vector<2048x128xf32>
    %max3A_11 = arith.maximumf %add3A_9, %max3A_10 : vector<2048x128xf32>
    %get3A_12 = arith.constant 0 : index
    %get3A_13 = arith.constant 0 : index
    %get3A_14 = vector.load %arg4[%get3A_12, %get3A_13] : memref<2x128xf32, #tpu.memory_space<vmem>>, vector<1x128xf32>
    %get3A_15 = arith.constant 1 : index
    %get3A_16 = arith.constant 0 : index
    %get3A_17 = vector.load %arg4[%get3A_15, %get3A_16] : memref<2x128xf32, #tpu.memory_space<vmem>>, vector<1x128xf32>
    %add3A_18 = arith.addf %get3A_14, %get3A_17 : vector<1x128xf32>
    %mul3A = arith.constant 5.000000e-01 : f32
    %mul3A_19 = vector.broadcast %mul3A : f32 to vector<1x128xf32>
    %mul3A_20 = arith.mulf %add3A_18, %mul3A_19 : vector<1x128xf32>
    %dot_general3A_21 = arith.constant dense<0.000000e+00> : vector<1x2048xf32>
    %dot_general3A_22 = tpu.matmul %mul3A_20, %max3A_11, %dot_general3A_21 {dimension_numbers = #tpu.dot_dimension_numbers<[1], [1], [0], [0], [0, 0, 1, 0], [], []>, transpose_lhs_hint = false} : vector<1x128xf32>, vector<2048x128xf32>, vector<1x2048xf32> -> vector<1x2048xf32>
    %squeeze3A = vector.shape_cast %dot_general3A_22 : vector<1x2048xf32> to vector<2048xf32>
    %neg3A = arith.constant 0.000000e+00 : f32
    %neg3A_23 = vector.broadcast %neg3A : f32 to vector<2048xf32>
    %neg3A_24 = arith.subf %neg3A_23, %squeeze3A : vector<2048xf32>
    %get3A_25 = arith.constant 0 : index
    %get3A_26 = arith.constant 0 : index
    %get3A_27 = memref.load %arg5[%get3A_25, %get3A_26] : memref<1x1xf32, #tpu.memory_space<smem>>
    %mul3A_28 = arith.constant 5.000000e-01 : f32
    %mul3A_29 = arith.mulf %get3A_27, %mul3A_28 : f32
    %sub3A = vector.broadcast %mul3A_29 : f32 to vector<2048xf32>
    %sub3A_30 = arith.subf %neg3A_24, %sub3A : vector<2048xf32>
    %mul3A_31 = arith.constant 2048 : i32
    %mul3A_32 = arith.muli %arg0, %mul3A_31 : i32
    %swap3A = arith.index_cast %mul3A_32 : i32 to index
    %swap3A_33 = vector.load %arg6[%swap3A] : memref<10240xf32, #tpu.memory_space<vmem>>, vector<2048xf32>
    tpu.vector_store %arg6[%swap3A], %sub3A_30 {strides = array<i32>} : memref<10240xf32, #tpu.memory_space<vmem>>, vector<2048xf32>,
    return
  }
  func.func @transform_0(%arg0: i32) -> (i32, i32) {
    %c0_i32 = arith.constant 0 : i32
    %c0_i32_0 = arith.constant 0 : i32
    return %arg0, %c0_i32 : i32, i32
  }
  func.func @transform_1(%arg0: i32) -> (i32, i32) {
    %c0_i32 = arith.constant 0 : i32
    %c0_i32_0 = arith.constant 0 : i32
    %c0_i32_1 = arith.constant 0 : i32
    return %c0_i32, %c0_i32_0 : i32, i32
  }
  func.func @transform_2(%arg0: i32) -> (i32, i32) {
    %c0_i32 = arith.constant 0 : i32
    %c0_i32_0 = arith.constant 0 : i32
    %c0_i32_1 = arith.constant 0 : i32
    return %c0_i32, %c0_i32_0 : i32, i32
  }
  func.func @transform_3(%arg0: i32) -> (i32, i32) {
    %c0_i32 = arith.constant 0 : i32
    %c0_i32_0 = arith.constant 0 : i32
    %c0_i32_1 = arith.constant 0 : i32
    return %c0_i32, %c0_i32_0 : i32, i32
  }
  func.func @transform_4(%arg0: i32) -> (i32, i32) {
    %c0_i32 = arith.constant 0 : i32
    %c0_i32_0 = arith.constant 0 : i32
    %c0_i32_1 = arith.constant 0 : i32
    return %c0_i32, %c0_i32_0 : i32, i32
  }
  func.func @transform_5(%arg0: i32) -> i32 {
    %c0_i32 = arith.constant 0 : i32
    %c0_i32_0 = arith.constant 0 : i32
    return %c0_i32 : i32
  }
}

</mosaic_0001>

<sc_bundles>
// kernel: kernel.4.cloned.1.call-start
scs
__scs_entry_jumppad:
0x0: {  	(pc) =	sbr.rel $0x88, $3  }
0x1: {  	(tag) =	ssettag $0x0;
	lr =	simm.s32 $0x1  }
0x2: {  	[smem:$0x3F9A] =	sst lr;
	_ =	strace $0xD0000000  }
0x3: {  	_ = 	snop  }
0x4: {  	_ = 	snop  }
0x5: {  	_ = 	snop  }
0x6: {  	_ = 	snop  }
0x7: {  	_ = 	snop  }
__scs_overlays_trampoline_lowered:
0x8: {  	[smem:$0x3FA9] =	sst s0  }
0x9: {  	[smem:$0x3FAA] =	sst s1  }
0xa: {  	[smem:$0x3FAB] =	sst s2  }
0xb: {  	[smem:$0x3FAC] =	sst s3  }
0xc: {  	[smem:$0x3FAD] =	sst s4  }
0xd: {  	[smem:$0x3FAE] =	sst s5  }
0xe: {  	[smem:$0x3FAF] =	sst s6  }
0xf: {  	[smem:$0x3FB0] =	sst s7  }
0x10: {  	[smem:$0x3FB1] =	sst s8  }
0x11: {  	[smem:$0x3FB2] =	sst s9;
	s0 =	simm.s32 @!p0 $0x0  }
0x12: {  	s1 =	sld [smem:$0x3F98];
	s0 =	simm.s32 @p0 $0x1  }
0x13: {  	[smem:$0x3FB3] =	sst s0;
	s0 =	simm.s32 @!p1 $0x0  }
0x14: {  	s2 =	sld [smem:$0x3F97];
	s0 =	simm.s32 @p1 $0x1  }
0x15: {  	[smem:$0x3FB4] =	sst s0;
	s0 =	simm.s32 @!p2 $0x0  }
0x16: {  	s3 =	sld [smem:$0x3FDB];
	s0 =	simm.s32 @p2 $0x1  }
0x17: {  	s4 =	simm.s32 $0x1BF5;
	[smem:$0x3FB6] =	sst s0  }
0x18: {  	s0 =	sld [smem:$0x3F99];
	_ =	swait.ge [sflag:s4], $0x0  }
0x19: {  	s7 =	sld [smem:$0x3F9A]  }
0x1a: {  	s8 =	sadd.s32 $0xFFFFE003, lr  }
0x1b: {  	s9 =	sadd.s32 $0xFFFFFEF7, lr;
	s5 =	simm.s32 $0xFFFFFFFF;
	p2 =	slt.u32 s8, $0xFFFFF086  }
0x1c: {  	p1 =	slt.u32 s9, $0xF7A;
	s5 =	simm.s32 @!p2 $0x0  }
0x1d: {  	s5 =	simm.s32 @p1 $0x1;
	p0 =	seq.s32 s7, s2  }
0x1e: {  	s7 =	smul.u32 @!p0 $0xF7A, s2;
	p2 =	seq.s32 @!p0 s5, $0x0  }
0x1f: {  	s9 =	smul.u32 $0xF7A, s1;
	s8 =	simm.s32 @!p0 $0x1BF5;
	p2 =	por !p2, p0  }
0x20: {  	[sflag:s8] =	ssyncset.s32 @!p0 $0xFFFFF086;
	s6 =	sadd.s32 @!p0 s3, s7;
	s7 =	simm.s32 @!p0 $0x108  }
0x21: {  	s3 =	sadd.s32 s3, s9;
	s6 =	sadd.s32 @!p0 $0x88, s6;
	s7 =	simm.s32 @p2 $0x1082  }
0x22: {  	[simem:s7], [sflag:s8] =	dma.local @!p0 [hbm:s6], $0xF7A  }
0x23: {  	s9 =	sor.u32 $0xD0000000, s2;
	s6 =	simm.s32 $0x108;
	_ =	swait.ge @!p0 [sflag:s8], $0x0  }
0x24: {  	s3 =	sadd.s32 $0x88, s3;
	s6 =	simm.s32 @!p1 $0x1082;
	[sflag:s4] =	ssyncset.s32 $0xFFFFF086  }
0x25: {  	[simem:s6], [sflag:s4] =	dma.local [hbm:s3], $0xF7A  }
0x26: {  	[smem:$0x3F9A] =	sst s1;
	(tag) =	ssettag s2;
	_ =	strace s9  }
0x27: {  	s1 =	sld [smem:$0x3FAA]  }
0x28: {  	s2 =	sld [smem:$0x3FAB]  }
0x29: {  	s4 =	sld [smem:$0x3FAD]  }
0x2a: {  	p0 =	seq.s32 s5, $0x0;
	s5 =	sld [smem:$0x3FAE]  }
0x2b: {  	s6 =	sld [smem:$0x3FAF]  }
0x2c: {  	s7 =	sld [smem:$0x3FB0]  }
0x2d: {  	s3 =	simm.s32 $0x108;
	s8 =	sld [smem:$0x3FB1]  }
0x2e: {  	s3 =	simm.s32 @!p0 $0x1082;
	s9 =	sld [smem:$0x3FB2]  }
0x2f: {  	lr =	sadd.s32 s0, s3;
	s0 =	sld [smem:$0x3FA9]  }
0x30: {  	s3 =	sld [smem:$0x3FAC]  }
0x31: {  	[smem:$0x3FB5] =	sst s10  }
0x32: {  	s10 =	sld [smem:$0x3FB3];
	_ =	sdelay $0x3  }
0x33: {  	p0 =	seq.s32 s10, $0x1;
	s10 =	sld [smem:$0x3FB5];
	_ =	sdelay $0x3  }
0x34: {  	[smem:$0x3FB5] =	sst s10  }
0x35: {  	s10 =	sld [smem:$0x3FB4];
	_ =	sdelay $0x3  }
0x36: {  	p1 =	seq.s32 s10, $0x1;
	s10 =	sld [smem:$0x3FB5];
	_ =	sdelay $0x3  }
0x37: {  	[smem:$0x3FB5] =	sst s10  }
0x38: {  	s10 =	sld [smem:$0x3FB6]  }
0x39: {  	_ = 	snop;
	(pc) =	sbr.ind lr, $3  }
0x3a: {  	_ = 	snop  }
0x3b: {  	_ = 	snop  }
0x3c: {  	p2 =	seq.s32 s10, $0x1;
	s10 =	sld [smem:$0x3FB5]  }
0x3d: {  	_ =	shalt  }
0x3e: {  	_ =	shalt  }
0x3f: {  	_ =	shalt  }
0x40: {  	_ =	shalt  }
0x41: {  	_ =	shalt  }
0x42: {  	_ =	shalt  }
0x43: {  	_ =	shalt  }
0x44: {  	_ =	shalt  }
0x45: {  	_ =	shalt  }
0x46: {  	_ =	shalt  }
0x47: {  	_ =	shalt  }
0x48: {  	_ =	shalt  }
0x49: {  	_ =	shalt  }
0x4a: {  	_ =	shalt  }
0x4b: {  	_ =	shalt  }
0x4c: {  	_ =	shalt  }
0x4d: {  	_ =	shalt  }
0x4e: {  	_ =	shalt  }
0x4f: {  	_ =	shalt  }
0x50: {  	_ =	shalt  }
0x51: {  	_ =	shalt  }
0x52: {  	_ =	shalt  }
0x53: {  	_ =	shalt  }
0x54: {  	_ =	shalt  }
0x55: {  	_ =	shalt  }
0x56: {  	_ =	shalt  }
0x57: {  	_ =	shalt  }
0x58: {  	_ =	shalt  }
0x59: {  	_ =	shalt  }
0x5a: {  	_ =	shalt  }
0x5b: {  	_ =	shalt  }
0x5c: {  	_ =	shalt  }
0x5d: {  	_ =	shalt  }
0x5e: {  	_ =	shalt  }
0x5f: {  	_ =	shalt  }
0x60: {  	_ =	shalt  }
0x61: {  	_ =	shalt  }
0x62: {  	_ =	shalt  }
0x63: {  	_ =	shalt  }
0x64: {  	_ =	shalt  }
0x65: {  	_ =	shalt  }
0x66: {  	_ =	shalt  }
0x67: {  	_ =	shalt  }
0x68: {  	_ =	shalt  }
0x69: {  	_ =	shalt  }
0x6a: {  	_ =	shalt  }
0x6b: {  	_ =	shalt  }
0x6c: {  	_ =	shalt  }
0x6d: {  	_ =	shalt  }
0x6e: {  	_ =	shalt  }
0x6f: {  	_ =	shalt  }
0x70: {  	_ =	shalt  }
0x71: {  	_ =	shalt  }
0x72: {  	_ =	shalt  }
0x73: {  	_ =	shalt  }
0x74: {  	_ =	shalt  }
0x75: {  	_ =	shalt  }
0x76: {  	_ =	shalt  }
0x77: {  	_ =	shalt  }
0x78: {  	_ =	shalt  }
0x79: {  	_ =	shalt  }
0x7a: {  	_ =	shalt  }
0x7b: {  	_ =	shalt  }
0x7c: {  	_ =	shalt  }
0x7d: {  	_ =	shalt  }
0x7e: {  	_ =	shalt  }
0x7f: {  	_ =	shalt  }
0x80: {  	_ =	shalt  }
0x81: {  	_ =	shalt  }
0x82: {  	_ =	shalt  }
0x83: {  	_ =	shalt  }
0x84: {  	_ =	shalt  }
0x85: {  	_ =	shalt  }
0x86: {  	_ =	shalt  }
0x87: {  	_ =	shalt  }
.Lfunc_end0:
.L_simem_size_0:
called_computation_lowered:
.L_overlay_start_0:
0x88: {  	s2 =	sld [smem:$0x3FD9]  }
0x89: {  	s3 =	sld [smem:$0x3FFE];
	_ =	sdelay $0x1  }
0x8a: {  	s1 =	srdreg.scid  }
0x8b: {  	s0 =	sand.u32 $0x1, s1  }
0x8c: {  	s14 =	sshll.u32 s0, $0xA;
	s2 =	sadd.s32 s3, s2  }
0x8d: {  	s2 =	sadd.s32 s2, s14  }
0x8e: {  	[smem:$0x3FC1] =	sst s2  }
0x8f: {  	_ = 	snop  }
0x90: {  	s2 =	sld [smem:$0x3FD0];
	_ =	sdelay $0x1  }
0x91: {  	s15 =	sld [smem:$0x3FC8]  }
0x92: {  	s5 =	simm.s32 $0xA;
	s6 =	simm.s32 $0x10;
	s4 =	sld [smem:$0x3FC7]  }
0x93: {  	[smem:s6], [sflag:s5] =	dma.local [hbm:s2], $0x1  }
0x94: {  	_ =	swait.eq [sflag:s5], $0x1  }
0x95: {  	[sflag:s5] =	ssyncset.done $0x0  }
0x96: {  	s16 =	sld [smem:$0x10];
	[sflag:s5] =	ssyncadd.s32 $0xFFFFFFFF  }
0x97: {  	s17 =	sld [smem:$0x11];
	(tm) =	ssettm $0x1  }
0x98: {  	s18 =	sld [smem:$0x3FFB];
	_ =	sdelay $0x3  }
0x99: {  	_ =	strace s18  }
0x9a: {  	s6 =	sld [smem:$0x3FFC];
	_ =	sdelay $0x3  }
0x9b: {  	_ =	strace s6  }
0x9c: {  	s6 =	sld [smem:$0x3FFD];
	_ =	sdelay $0x3  }
0x9d: {  	_ =	strace s6  }
0x9e: {  	_ =	strace $0x8FFFFFFF  }
0x9f: {  	s19 =	sld [smem:$0x3FDB];
	_ =	sdelay $0x1  }
0xa0: {  	s7 =	simm.s32 $_scs_section_size  }
0xa1: {  	s8 =	simm.s32 $_size__tile_overlayer_lowered;
	s9 =	simm.s32 $_tile_overlayer_lowered  }
0xa2: {  	s22 =	simm.s32 $0x1BFF;
	s21 =	sshll.u32 s9, $0x1;
	s6 =	sadd.s32 s7, s19  }
0xa3: {  	s10 =	simm.s32 $0x0;
	s20 =	sshll.u32 s8, $0x1;
	s8 =	sadd.s32 s21, s6  }
0xa4: {  	[timem:s10], [sflag:s22] =	dma.local [hbm:s8], s20  }
0xa5: {  	_ =	swait.ge [sflag:s22], s20  }
0xa6: {  	s7 =	ssub.s32 $0x0, s20;
	[sflag:s22] =	ssyncset.done $0x0  }
0xa7: {  	[sflag:s22] =	ssyncadd.s32 s7;
	_ =	sdelay $0x1  }
0xa8: {  	s23 =	simm.s32 $0x1B8B  }
0xa9: {  	_ =	swait.ge [sflag:s23], $0x1  }
0xaa: {  	[sflag:s23] =	ssyncset.done $0x0  }
0xab: {  	s25 =	simm.s32 $0x1B8E;
	s24 =	sld [smem:$0x3FFE];
	[sflag:s23] =	ssyncadd.s32 $0xFFFFFFFF  }
0xac: {  	s26 =	simm.s32 $execute0_lowered;
	[smem:$0x3FD2] =	sst s25  }
0xad: {  	s8 =	sshll.u32 s26, $0x1;
	_ =	strace $0x80000046;
	[dreg:$0x1] =	wrdreg $0xFFFFFFFF  }
0xae: {  	s28 =	simm.s32 $_size_execute0_lowered;
	s6 =	sadd.s32 s6, s8;
	[dreg:$0x0] =	wrdreg $0x0  }
0xaf: {  	s8 =	sshll.u32 s28, $0x1;
	[dreg:$0x2] =	wrdreg s6  }
0xb0: {  	[dreg:$0x3] =	wrdreg s8  }
0xb1: {  	[dreg:$0x4] =	wrdreg $0xC0  }
0xb2: {  	_ =	task [dreg:s10], $0x5FFFF  }
0xb3: {  	[dreg:$0x1] =	wrdreg $0xFFFFFFFF  }
0xb4: {  	[dreg:$0x0] =	wrdreg $0x60  }
0xb5: {  	[dreg:$0x2] =	wrdreg s24  }
0xb6: {  	[dreg:$0x3] =	wrdreg s15  }
0xb7: {  	[dreg:$0x4] =	wrdreg s4  }
0xb8: {  	[dreg:$0x5] =	wrdreg s16  }
0xb9: {  	[dreg:$0x6] =	wrdreg s17  }
0xba: {  	[dreg:$0x7] =	wrdreg $0x9  }
0xbb: {  	_ =	task.clear_ibuf [dreg:s10], $0x8FFFF;
	_ =	strace $0x90000046  }
0xbc: {  	s29 =	simm.s32 $0x9;
	_ =	strace $0x80000048  }
0xbd: {  	_ =	swait.ge [sflag:s29], $0x1  }
0xbe: {  	[sflag:s29] =	ssyncadd.s32 $0xFFFFFFFF  }
0xbf: {  	_ =	strace $0x90000048  }
0xc0: {  	_ =	sfence  }
0xc1: {  	s30 =	sld [smem:$0x0];
	_ =	sdelay $0x2  }
0xc2: {  	s31 =	sshll.u32 s1, $0xD;
	s1 =	sshrl.u32 s1, $0x2  }
0xc3: {  	s3 =	sand.u32 $0x4000, s31;
	s1 =	sadd.s32 s1, s30  }
0xc4: {  	s0 =	sor.u32 s3, s0;
	s1 =	sshll.u32 s1, $0x11  }
0xc5: {  	s0 =	sor.u32 s1, s0  }
0xc6: {  	s0 =	sadd.s32 $0x8F2B, s0  }
0xc7: {  	[sflag:s0] =	ssyncadd.remote.s32 $0x1  }
0xc8: {  	_ =	sfence.sel $0xFFFF  }
0xc9: {  	[dreg:$0x0] =	wrdreg $0xFFFFFFFF;
	(pc) =	sbr.abs _section_cstart, $3  }
0xca: {  	[dreg:$0x1] =	wrdreg $0xFFFFFFFF  }
0xcb: {  	_ =	task.clear_ibuf [dreg:s10], $0x2FFFF;
	_ =	strace $0x9FFFFFFF  }
0xcc: {  	(tm) =	ssettm $0x7FFFFFFF  }
0xcd: {  	_ =	shalt  }
tec
execute0_lowered:
.L_overlay_start_1:
0x0: {  	(tag) =	ssettag $0x1  }
0x1: {  	s3 =	rddreg [dreg:$0x0]  }
0x2: {  	s4 =	rddreg [dreg:$0x1]  }
0x3: {  	s5 =	rddreg [dreg:$0x2]  }
0x4: {  	s1 =	srdreg.scid;
	s0 =	stileid.u32  }
0x5: {  	s6 =	rddreg [dreg:$0x3];
	s7 =	sand.u32 $0x1, s1;
	s30 =	sshll.u32 s0, $0x1  }
0x6: {  	s8 =	rddreg [dreg:$0x4];
	s2 =	simm.s32 $0x0;
	s9 =	sor.u32 s7, s30  }
0x7: {  	s12 =	simm.s32 $0x3;
	s1 =	rddreg [dreg:$0x5];
	s9 =	smul.u32 $0x2800, s9  }
0x8: {  	s13 =	simm.s32 $0x0;
	[smem:$0x7FF] =	sst s2;
	s7 =	ssub.s32 $0x2, s7  }
0x9: {  	s3 =	sadd.s32 $0x1000, s3;
	s10 =	sshrl.u32 s7, $0x1;
	s9 =	smin.u32 s9, $0x4BA00  }
0xa: {  	_ =	strace $0x80000047;
	s10 =	ssub.s32 s7, s10;
	s11 =	sshrl.u32 s9, $0x2  }
0xb: {  	s31 =	sshrl.u32 s9, $0x3;
	s9 =	simm.s32 $0x2800;
	s4 =	sadd.s32 s4, s11  }
0xc: {  	s5 =	sadd.s32 s5, s31;
	s6 =	sadd.s32 s6, s31;
	s7 =	sadd.s32 s8, s31  }
0xd: {  	s8 =	smax.u32 s10, $0x1;
	s10 =	simm.s32 $0x1;
	s11 =	simm.s32 $0x2  }
.LBB2_1:
0xe: {  	[tilespmem:s2], [sflag:$0x1] =	stream.linear.gather [hbm4b:s3+s2], $0x2800, $0x38;
	[tilespmem:$0x1B800] =	vst v63  }
0xf: {  	s14 =	simm.s32 $0xC800  }
0x10: {  	s15 =	simm.s32 $0x10;
	s17 =	sadd.s32 $0x0, s5;
	s16 =	simm.s32 $0xC900  }
0x11: {  	[tilespmem:s9], [sflag:$0x2] =	stream.linear.gather [hbm4b:s4+s2], $0x5000, $0x38;
	[tilespmem:$0x1B800] =	vst v63  }
.LBB2_2:
0x12: {  	[tilespmem:s14], [sflag:$0x2] =	stream.linear.gather [hbm4b:s17+s2], $0x80, $0x38;
	[tilespmem:$0x1B800] =	vst v63  }
0x13: {  	s17 =	smov.u32 s15;
	s14 =	smov.u32 s16;
	p0 =	sne.s32 s15, $0x4F0  }
.Ltmp0:
0x14: {  	s15 =	sadd.s32 $0x10, s15;
	(pc) =	sbr.rel @p0 .LBB2_2-.Ltmp0, $2  }
0x15: {  	_ =	sdelay $0x2  }
0x16: {  	s16 =	sadd.s32 $0x100, s16;
	s17 =	sadd.s32 s17, s5  }
0x17: {  	[tilespmem:s14], [sflag:$0x2] =	stream.linear.gather [hbm4b:s17+s2], $0x80, $0x38;
	[tilespmem:$0x1B800] =	vst v63  }
0x18: {  	_ =	swait.ge [sflag:s10], $0x2800  }
0x19: {  	[sflag:s10] =	ssyncset.done $0x0  }
0x1a: {  	[sflag:s10] =	ssyncadd.s32 $0xFFFFD800  }
0x1b: {  	_ =	swait.ge [sflag:s11], $0x5000  }
0x1c: {  	[sflag:s11] =	ssyncset.done $0x0  }
0x1d: {  	[sflag:s11] =	ssyncadd.s32 $0xFFFFB000  }
0x1e: {  	_ =	swait.ge [sflag:s11], $0x2800  }
0x1f: {  	[sflag:s11] =	ssyncset.done $0x0  }
0x20: {  	s15 =	simm.s32 $0xC840;
	[sflag:s11] =	ssyncadd.s32 $0xFFFFD800  }
0x21: {  	v0 =	vld [tilespmem:s15+$0x30]  }
0x22: {  	s31 =	simm.s32 $0x2880;
	v1 =	vld [tilespmem:s15+$0x20]  }
0x23: {  	v2 =	vld [tilespmem:s31+$0x50]  }
0x24: {  	v3 =	vld [tilespmem:s31+$0xFFFFFFE0]  }
0x25: {  	v4 =	vld [tilespmem:s31+$0x60]  }
0x26: {  	v5 =	vld [tilespmem:s31+$0xFFFFFF80]  }
0x27: {  	v6 =	vld [tilespmem:s31+$0x70]  }
0x28: {  	v7 =	vld [tilespmem:s31+$0xFFFFFFF0]  }
0x29: {  	v8 =	vld [tilespmem:s31+$0x0]  }
0x2a: {  	v9 =	vld [tilespmem:s31+$0xFFFFFF90]  }
0x2b: {  	v10 =	vld [tilespmem:s31+$0x10]  }
0x2c: {  	v11 =	vld [tilespmem:s31+$0xFFFFFFA0]  }
0x2d: {  	v12 =	vld [tilespmem:s31+$0x20]  }
0x2e: {  	v13 =	vld [tilespmem:s31+$0xFFFFFFD0]  }
0x2f: {  	v14 =	vld [tilespmem:s31+$0x40]  }
0x30: {  	v15 =	vld [tilespmem:s31+$0xFFFFFFC0]  }
0x31: {  	v16 =	vld [tilespmem:s31+$0x30]  }
0x32: {  	v17 =	vld [tilespmem:s31+$0xFFFFFFB0]  }
0x33: {  	v6 =	vld.idx.msk [tilespmem:v6+s2+$0x0], $0xffff  }
0x34: {  	s17 =	simm.s32 $0x2980;
	v7 =	vld.idx.msk [tilespmem:v7+s2+$0x0], $0xffff  }
0x35: {  	v19 =	vld [tilespmem:s17+$0xFFFFFFF0]  }
0x36: {  	v55 =	vld [tilespmem:s17+$0xFFFFFFA0]  }
0x37: {  	v5 =	vld.idx.msk [tilespmem:v5+s2+$0x0], $0xffff  }
0x38: {  	v4 =	vld.idx.msk [tilespmem:v4+s2+$0x0], $0xffff  }
0x39: {  	v3 =	vld.idx.msk [tilespmem:v3+s2+$0x0], $0xffff;
	v6 =	vadd.f32 v6, v7  }
0x3a: {  	v2 =	vld.idx.msk [tilespmem:v2+s2+$0x0], $0xffff  }
0x3b: {  	v7 =	vld.idx.msk [tilespmem:v13+s2+$0x0], $0xffff;
	v6 =	vmul.f32 $1.442695020e+00, v6  }
0x3c: {  	v13 =	vld.idx.msk [tilespmem:v14+s2+$0x0], $0xffff  }
0x3d: {  	v14 =	vld.idx.msk [tilespmem:v15+s2+$0x0], $0xffff;
	(erf) = vpow2.f32 v6  }
0x3e: {  	v12 =	vld.idx.msk [tilespmem:v12+s2+$0x0], $0xffff  }
0x3f: {  	v15 =	vld.idx.msk [tilespmem:v17+s2+$0x0], $0xffff  }
0x40: {  	v3 =	vadd.f32 v4, v3;
	v6 =	vld.idx.msk [tilespmem:v16+s2+$0x0], $0xffff  }
0x41: {  	v11 =	vld.idx.msk [tilespmem:v11+s2+$0x0], $0xffff  }
0x42: {  	v4 =	vld.idx.msk [tilespmem:v10+s2+$0x0], $0xffff;
	v3 =	vmul.f32 $1.442695020e+00, v3;
	v10 =	vadd.f32 v13, v14  }
0x43: {  	v0 =	vmul.f32 $9.998000260e-01, v0;
	v9 =	vld.idx.msk [tilespmem:v9+s2+$0x0], $0xffff  }
0x44: {  	v8 =	vld.idx.msk [tilespmem:v8+s2+$0x0], $0xffff;
	(erf) = vpow2.f32 v3;
	v2 =	vadd.f32 v2, v7;
	v10 =	vmul.f32 $1.442695020e+00, v10  }
0x45: {  	v28 =	vld [tilespmem:s17+$0x20];
	v1 =	vmul.f32 $9.998000260e-01, v1;
	v3 =	vadd.f32 $9.999999740e-05, v0;
	v6 =	vadd.f32 v6, v15  }
0x46: {  	v11 =	vadd.f32 v12, v11;
	v12 =	vld [tilespmem:s15+$0xFFFFFFE0];
	v2 =	vmul.f32 $1.442695020e+00, v2;
	v13 =	vpop (erf);
	(erf) = vpow2.f32 v10  }
0x47: {  	v17 =	vld [tilespmem:s17+$0x70];
	v3 =	vmul.f32 v13, v3;
	v13 =	vsub.f32 $9.998999830e-01, v0;
	v0 =	vmul.f32 $1.442695020e+00, v6  }
0x48: {  	v7 =	vld [tilespmem:s15+$0xFFFFFFC0];
	v4 =	vadd.f32 v4, v9;
	v9 =	vmul.f32 $1.442695020e+00, v11;
	(erf) = vpow2.f32 v2  }
0x49: {  	v5 =	vadd.f32 v8, v5;
	v6 =	vld [tilespmem:s15+$0x0];
	v3 =	vadd.f32 v3, v13;
	(erf) = vpow2.f32 v0  }
0x4a: {  	v4 =	vmul.f32 $1.442695020e+00, v4;
	v2 =	vld [tilespmem:s15+$0x10];
	(erf) = vpow2.f32 v9  }
0x4b: {  	v0 =	vld [tilespmem:s15+$0xFFFFFFF0];
	(erf) = vrcp.f32 v3  }
0x4c: {  	v12 =	vmul.f32 $9.998000260e-01, v12;
	v15 =	vld [tilespmem:s15+$0xFFFFFFD0];
	v3 =	vadd.f32 $9.999999740e-05, v1;
	(erf) = vpow2.f32 v4  }
0x4d: {  	v60 =	vld [tilespmem:s17+$0x40];
	v7 =	vmul.f32 $9.998000260e-01, v7;
	v4 =	vmul.f32 $1.442695020e+00, v5;
	v5 =	vpop (erf)  }
0x4e: {  	v61 =	vld [tilespmem:s17+$0xFFFFFFC0];
	v16 =	vsub.f32 $9.998999830e-01, v1;
	v1 =	vmul.f32 v5, v3;
	v5 =	vmul.f32 $9.998000260e-01, v6  }
0x4f: {  	v26 =	vadd.f32 $9.999999740e-05, v12;
	v2 =	vmul.f32 $9.998000260e-01, v2;
	v6 =	vld [tilespmem:s17+$0xFFFFFF80];
	(erf) = vpow2.f32 v4  }
0x50: {  	v11 =	vld [tilespmem:s17+$0x60];
	v4 =	vmul.f32 $9.998000260e-01, v0;
	v1 =	vadd.f32 v1, v16;
	v18 =	vpop (erf);
	v20 =	vadd.f32 $9.999999740e-05, v5  }
0x51: {  	v19 =	vld.idx.msk [tilespmem:v19+s2+$0x0], $0xffff;
	v56 =	vsub.f32 $9.998999830e-01, v12;
	v15 =	vmul.f32 $9.998000260e-01, v15;
	v21 =	vadd.f32 $9.999999740e-05, v2;
	v22 =	vpop (erf)  }
0x52: {  	s14 =	simm.s32 $0xC940;
	v8 =	vld [tilespmem:s17+$0x50];
	v57 =	vadd.f32 $9.999999740e-05, v7;
	(erf) = vrcp.f32 v1;
	v1 =	vadd.f32 $9.999999740e-05, v4;
	v24 =	vpop (erf)  }
0x53: {  	v14 =	vld [tilespmem:s14+$0x30];
	v23 =	vadd.f32 $9.999999740e-05, v15;
	v2 =	vsub.f32 $9.998999830e-01, v2;
	v21 =	vmul.f32 v22, v21;
	v54 =	vpop (erf)  }
0x54: {  	v17 =	vld.idx.msk [tilespmem:v17+s2+$0x0], $0xffff;
	v25 =	vsub.f32 $9.998999830e-01, v4;
	v18 =	vmul.f32 v18, v20;
	v1 =	vmul.f32 v24, v1;
	v20 =	vpop (erf)  }
0x55: {  	v59 =	vsub.f32 $9.998999830e-01, v7;
	v10 =	vld [tilespmem:s17+$0xFFFFFFE0];
	v21 =	vadd.f32 v21, v2;
	v27 =	vpop (erf)  }
0x56: {  	v7 =	vld [tilespmem:s17+$0xFFFFFFD0];
	v15 =	vsub.f32 $9.998999830e-01, v15;
	v12 =	vadd.f32 v1, v25;
	v23 =	vmul.f32 v27, v23  }
0x57: {  	v1 =	vld.idx.msk [tilespmem:v6+s2+$0x0], $0xffff;
	v6 =	vmul.f32 v54, v26;
	(erf) = vrcp.f32 v21  }
0x58: {  	v11 =	vld.idx.msk [tilespmem:v11+s2+$0x0], $0xffff;
	v58 =	vsub.f32 $9.998999830e-01, v5;
	v5 =	vpop (erf);
	(erf) = vrcp.f32 v12;
	v12 =	vadd.f32 v23, v15  }
0x59: {  	v9 =	vld [tilespmem:s14+$0x20];
	v6 =	vadd.f32 v6, v56;
	v5 =	vmul.f32 v5, v57  }
0x5a: {  	v3 =	vld [tilespmem:s17+$0xFFFFFF90];
	v18 =	vadd.f32 v18, v58;
	(erf) = vrcp.f32 v12  }
0x5b: {  	v5 =	vadd.f32 v5, v59;
	(erf) = vrcp.f32 v6;
	v6 =	vmul.f32 v20, v13;
	v20 =	vld [tilespmem:s17+$0x30]  }
0x5c: {  	s16 =	simm.s32 $0x11840;
	(erf) = vrcp.f32 v18;
	v18 =	vld [tilespmem:s17+$0xFFFFFFB0]  }
0x5d: {  	v12 =	vpop (erf);
	(erf) = vrcp.f32 v5;
	v5 =	vsub.f32 $1.000000000e+00, v6;
	[tilespmem:s16+$0x30] =	vst v6;
	v6 =	vld.idx.msk [tilespmem:v10+s2+$0x0], $0xffff  }
0x5e: {  	s15 =	simm.s32 $0x16840;
	v12 =	vmul.f32 v12, v16;
	v10 =	vld.idx.msk [tilespmem:v8+s2+$0x0], $0xffff;
	v8 =	vadd.f32 v17, v19  }
0x5f: {  	v4 =	vld [tilespmem:s17+$0x10];
	[tilespmem:s15+$0x30] =	vst v5  }
0x60: {  	v13 =	vpop (erf);
	v5 =	vsub.f32 $1.000000000e+00, v12;
	[tilespmem:s16+$0x20] =	vst v12;
	v12 =	vld.idx.msk [tilespmem:v7+s2+$0x0], $0xffff;
	v7 =	vmul.f32 $1.442695020e+00, v8  }
0x61: {  	v0 =	vld [tilespmem:s17+$0x0];
	v16 =	vmul.f32 v13, v2;
	v2 =	vpop (erf)  }
0x62: {  	v17 =	vld.idx.msk [tilespmem:v61+s2+$0x0], $0xffff;
	[tilespmem:s15+$0x20] =	vst v5;
	v5 =	vmul.f32 v2, v25;
	(erf) = vpow2.f32 v7  }
0x63: {  	v13 =	vld.idx.msk [tilespmem:v60+s2+$0x0], $0xffff;
	v2 =	vmul.f32 $9.998000260e-01, v14;
	[tilespmem:s16+$0x10] =	vst v16;
	v19 =	vsub.f32 $1.000000000e+00, v16;
	v8 =	vpop (erf)  }
0x64: {  	v6 =	vadd.f32 v11, v6;
	[tilespmem:s16+$0xFFFFFFF0] =	vst v5;
	v62 =	vsub.f32 $1.000000000e+00, v5;
	v14 =	vld.idx.msk [tilespmem:v20+s2+$0x0], $0xffff;
	v8 =	vmul.f32 v8, v15;
	v15 =	vpop (erf)  }
0x65: {  	v5 =	vmul.f32 $9.998000260e-01, v9;
	[tilespmem:s15+$0x10] =	vst v19;
	v16 =	vld.idx.msk [tilespmem:v18+s2+$0x0], $0xffff;
	v20 =	vmul.f32 v15, v56;
	v9 =	vpop (erf)  }
0x66: {  	s21 =	simm.s32 $0x80;
	v19 =	vmul.f32 $1.442695020e+00, v6;
	v18 =	vld.idx.msk [tilespmem:v55+s2+$0x0], $0xffff;
	[tilespmem:s15+$0xFFFFFFF0] =	vst v62;
	v63 =	vpop (erf);
	v11 =	vmul.f32 v9, v58  }
0x67: {  	s18 =	simm.s32 $0x11840;
	s19 =	simm.s32 $0x16840;
	s20 =	simm.s32 $0xC940;
	v15 =	vld.idx.msk [tilespmem:v28+s2+$0x0], $0xffff;
	v7 =	vsub.f32 $1.000000000e+00, v8;
	v9 =	vmul.f32 v63, v59;
	[tilespmem:s16+$0xFFFFFFE0] =	vst v20;
	v6 =	vsub.f32 $1.000000000e+00, v20  }
.LBB2_4:
0x68: {  	s21 =	sadd.s32 $0x80, s21;
	v4 =	vld.idx.msk [tilespmem:v4+s2+$0x0], $0xffff;
	[tilespmem:s16+$0x0] =	vst v11;
	s18 =	sadd.s32 $0x100, s18;
	s15 =	sadd.s32 $0x100, s15  }
0x69: {  	v13 =	vadd.f32 v13, v17;
	p0 =	slt.u32 s21, $0x2780;
	v3 =	vld.idx.msk [tilespmem:v3+s2+$0x0], $0xffff;
	(erf) = vpow2.f32 v19;
	[tilespmem:s16+$0xFFFFFFD0] =	vst v8;
	v8 =	vsub.f32 $1.000000000e+00, v11  }
0x6a: {  	s14 =	sadd.s32 $0x100, s14;
	v11 =	vadd.f32 $9.999999740e-05, v2;
	v0 =	vld.idx.msk [tilespmem:v0+s2+$0x0], $0xffff;
	[tilespmem:s16+$0xFFFFFFC0] =	vst v9;
	v9 =	vsub.f32 $1.000000000e+00, v9;
	s16 =	smov.u32 s18  }
0x6b: {  	v10 =	vadd.f32 v10, v12;
	v14 =	vadd.f32 v14, v16;
	v13 =	vmul.f32 $1.442695020e+00, v13;
	v17 =	vld [tilespmem:s14+$0x30];
	v12 =	vpop (erf);
	[tilespmem:s19+$0xFFFFFFD0] =	vst v7  }
0x6c: {  	v16 =	vsub.f32 $9.998999830e-01, v2;
	v7 =	vld [tilespmem:s20+$0xFFFFFFC0];
	v2 =	vmul.f32 v12, v11;
	[tilespmem:s19+$0x0] =	vst v8  }
0x6d: {  	v10 =	vmul.f32 $1.442695020e+00, v10;
	v11 =	vadd.f32 v15, v18;
	v12 =	vmul.f32 $1.442695020e+00, v14;
	v8 =	vld [tilespmem:s20+$0xFFFFFFD0];
	[tilespmem:s19+$0xFFFFFFC0] =	vst v9  }
0x6e: {  	v9 =	vld [tilespmem:s20+$0xFFFFFFE0];
	v14 =	vadd.f32 v2, v16;
	(erf) = vpow2.f32 v13;
	[tilespmem:s19+$0xFFFFFFE0] =	vst v6;
	s19 =	smov.u32 s15  }
0x6f: {  	v3 =	vadd.f32 v4, v3;
	v13 =	vmul.f32 $1.442695020e+00, v11;
	v6 =	vld [tilespmem:s20+$0x0];
	(erf) = vpow2.f32 v10  }
0x70: {  	v0 =	vadd.f32 v0, v1;
	v2 =	vmul.f32 $9.998000260e-01, v17;
	v1 =	vld [tilespmem:s20+$0x10];
	(erf) = vpow2.f32 v12  }
0x71: {  	v11 =	vadd.f32 $9.999999740e-05, v5;
	v3 =	vmul.f32 $1.442695020e+00, v3;
	v10 =	vld [tilespmem:s20+$0xFFFFFFF0];
	(erf) = vpow2.f32 v13;
	s20 =	smov.u32 s14  }
0x72: {  	s17 =	sadd.s32 $0x100, s17;
	v0 =	vmul.f32 $1.442695020e+00, v0;
	v12 =	vld [tilespmem:s14+$0x20];
	v4 =	vpop (erf);
	(erf) = vrcp.f32 v14  }
0x73: {  	v14 =	vsub.f32 $9.998999830e-01, v5;
	v13 =	vld [tilespmem:s17+$0x50];
	v4 =	vmul.f32 v4, v11;
	(erf) = vpow2.f32 v3  }
0x74: {  	v11 =	vld [tilespmem:s17+$0xFFFFFFE0];
	v3 =	vmul.f32 $9.998000260e-01, v6;
	(erf) = vpow2.f32 v0  }
0x75: {  	v5 =	vmul.f32 $9.998000260e-01, v8;
	v6 =	vld [tilespmem:s17+$0x60];
	v1 =	vmul.f32 $9.998000260e-01, v1;
	v0 =	vadd.f32 v4, v14  }
0x76: {  	v9 =	vmul.f32 $9.998000260e-01, v9;
	v8 =	vld [tilespmem:s17+$0xFFFFFF80];
	v23 =	vmul.f32 $9.998000260e-01, v10;
	v10 =	vadd.f32 $9.999999740e-05, v3  }
0x77: {  	v17 =	vadd.f32 $9.999999740e-05, v5;
	v15 =	vld [tilespmem:s17+$0x70];
	v18 =	vadd.f32 $9.999999740e-05, v1;
	v19 =	vpop (erf);
	(erf) = vrcp.f32 v0  }
0x78: {  	v20 =	vld [tilespmem:s17+$0xFFFFFFF0];
	v21 =	vadd.f32 $9.999999740e-05, v23;
	v22 =	vsub.f32 $9.998999830e-01, v23;
	v10 =	vmul.f32 v19, v10;
	v4 =	vpop (erf)  }
0x79: {  	v19 =	vsub.f32 $9.998999830e-01, v3;
	v23 =	vsub.f32 $9.998999830e-01, v1;
	v0 =	vld [tilespmem:s17+$0x0];
	v1 =	vmul.f32 v4, v18;
	v4 =	vpop (erf)  }
0x7a: {  	v18 =	vsub.f32 $9.998999830e-01, v5;
	v5 =	vadd.f32 $9.999999740e-05, v9;
	v3 =	vld [tilespmem:s17+$0xFFFFFF90];
	v21 =	vmul.f32 v4, v21;
	v24 =	vpop (erf)  }
0x7b: {  	v7 =	vmul.f32 $9.998000260e-01, v7;
	v9 =	vsub.f32 $9.998999830e-01, v9;
	v4 =	vld [tilespmem:s17+$0x10];
	v1 =	vadd.f32 v1, v23;
	v25 =	vpop (erf)  }
0x7c: {  	v5 =	vmul.f32 v24, v5;
	v26 =	vld [tilespmem:s17+$0xFFFFFFA0];
	v21 =	vadd.f32 v21, v22;
	v16 =	vmul.f32 v25, v16;
	v24 =	vpop (erf)  }
0x7d: {  	v27 =	vadd.f32 $9.999999740e-05, v7;
	v25 =	vld [tilespmem:s17+$0x20];
	v17 =	vmul.f32 v24, v17;
	v24 =	vpop (erf);
	(erf) = vrcp.f32 v1  }
0x7e: {  	v28 =	vsub.f32 $9.998999830e-01, v7;
	v1 =	vld.idx.msk [tilespmem:v8+s2+$0x0], $0xffff;
	[tilespmem:s18+$0x30] =	vst v16;
	v29 =	vsub.f32 $1.000000000e+00, v16;
	(erf) = vrcp.f32 v21  }
0x7f: {  	v8 =	vld.idx.msk [tilespmem:v15+s2+$0x0], $0xffff;
	v15 =	vmul.f32 v24, v27;
	v16 =	vadd.f32 v17, v18;
	v17 =	vadd.f32 v5, v9  }
0x80: {  	v10 =	vadd.f32 v10, v19;
	v5 =	vmul.f32 $9.998000260e-01, v12;
	v12 =	vld.idx.msk [tilespmem:v20+s2+$0x0], $0xffff;
	[tilespmem:s15+$0x30] =	vst v29;
	v7 =	vpop (erf)  }
0x81: {  	v20 =	vld [tilespmem:s17+$0xFFFFFFD0];
	v15 =	vadd.f32 v15, v28;
	v7 =	vmul.f32 v7, v14;
	(erf) = vrcp.f32 v16  }
0x82: {  	v14 =	vld [tilespmem:s17+$0x40]  }
0x83: {  	v16 =	vld [tilespmem:s17+$0xFFFFFFC0];
	[tilespmem:s18+$0x20] =	vst v7;
	v7 =	vsub.f32 $1.000000000e+00, v7;
	(erf) = vrcp.f32 v17  }
0x84: {  	v21 =	vld [tilespmem:s17+$0x30];
	(erf) = vrcp.f32 v10  }
0x85: {  	v24 =	vld [tilespmem:s17+$0xFFFFFFB0];
	[tilespmem:s15+$0x20] =	vst v7;
	(erf) = vrcp.f32 v15  }
0x86: {  	v7 =	vadd.f32 v8, v12;
	v6 =	vld.idx.msk [tilespmem:v6+s2+$0x0], $0xffff;
	v8 =	vpop (erf)  }
0x87: {  	v11 =	vld.idx.msk [tilespmem:v11+s2+$0x0], $0xffff;
	v8 =	vmul.f32 v8, v23;
	v12 =	vpop (erf)  }
0x88: {  	v17 =	vmul.f32 $1.442695020e+00, v7;
	v10 =	vld.idx.msk [tilespmem:v13+s2+$0x0], $0xffff;
	v15 =	vmul.f32 v12, v22  }
0x89: {  	v12 =	vld.idx.msk [tilespmem:v20+s2+$0x0], $0xffff;
	[tilespmem:s18+$0x10] =	vst v8;
	v20 =	vsub.f32 $1.000000000e+00, v8  }
0x8a: {  	v13 =	vld.idx.msk [tilespmem:v14+s2+$0x0], $0xffff;
	(erf) = vpow2.f32 v17;
	[tilespmem:s18+$0xFFFFFFF0] =	vst v15;
	v22 =	vsub.f32 $1.000000000e+00, v15;
	v7 =	vpop (erf)  }
.Ltmp1:
0x8b: {  	v17 =	vld.idx.msk [tilespmem:v16+s2+$0x0], $0xffff;
	v8 =	vmul.f32 v7, v18;
	(pc) =	sbr.rel @p0 .LBB2_4-.Ltmp1, $4  }
0x8c: {  	v14 =	vld.idx.msk [tilespmem:v21+s2+$0x0], $0xffff;
	v15 =	vpop (erf)  }
0x8d: {  	v6 =	vadd.f32 v6, v11;
	v16 =	vld.idx.msk [tilespmem:v24+s2+$0x0], $0xffff;
	v7 =	vsub.f32 $1.000000000e+00, v8;
	v21 =	vmul.f32 v15, v9;
	[tilespmem:s15+$0x10] =	vst v20;
	v9 =	vpop (erf)  }
0x8e: {  	v15 =	vld.idx.msk [tilespmem:v25+s2+$0x0], $0xffff;
	[tilespmem:s15+$0xFFFFFFF0] =	vst v22;
	v11 =	vmul.f32 v9, v19;
	v9 =	vpop (erf)  }
0x8f: {  	v19 =	vmul.f32 $1.442695020e+00, v6;
	v18 =	vld.idx.msk [tilespmem:v26+s2+$0x0], $0xffff;
	v9 =	vmul.f32 v9, v28;
	[tilespmem:s18+$0xFFFFFFE0] =	vst v21;
	v6 =	vsub.f32 $1.000000000e+00, v21  }
0x90: {  	_ =	sdelay $0x3  }
0x91: {  	v4 =	vld.idx.msk [tilespmem:v4+s2+$0x0], $0xffff  }
0x92: {  	v3 =	vld.idx.msk [tilespmem:v3+s2+$0x0], $0xffff;
	v13 =	vadd.f32 v13, v17  }
0x93: {  	v60 =	vadd.f32 $9.999999740e-05, v2;
	v10 =	vadd.f32 v10, v12  }
0x94: {  	(erf) = vpow2.f32 v19;
	v61 =	vadd.f32 v14, v16;
	v13 =	vmul.f32 $1.442695020e+00, v13;
	v62 =	vpop (erf)  }
0x95: {  	v0 =	vld.idx.msk [tilespmem:v0+s2+$0x0], $0xffff;
	v10 =	vmul.f32 $1.442695020e+00, v10;
	v14 =	vmul.f32 v62, v60;
	v15 =	vadd.f32 v15, v18  }
0x96: {  	v63 =	vsub.f32 $9.998999830e-01, v2;
	v22 =	vld [tilespmem:s20+$0xFFFFFFE0];
	v12 =	vmul.f32 $1.442695020e+00, v61;
	(erf) = vpow2.f32 v13  }
0x97: {  	v25 =	vld [tilespmem:s20+$0x10];
	v3 =	vadd.f32 v4, v3;
	(erf) = vpow2.f32 v10;
	v21 =	vmul.f32 $1.442695020e+00, v15  }
0x98: {  	v26 =	vld [tilespmem:s20+$0xFFFFFFF0];
	v23 =	vadd.f32 v14, v63;
	(erf) = vpow2.f32 v12  }
0x99: {  	v3 =	vmul.f32 $1.442695020e+00, v3;
	(erf) = vpow2.f32 v21  }
0x9a: {  	(erf) = vrcp.f32 v23  }
0x9b: {  	v24 =	vld [tilespmem:s20+$0x0];
	v0 =	vadd.f32 v0, v1;
	(erf) = vpow2.f32 v3  }
0x9c: {  	v27 =	vadd.f32 $9.999999740e-05, v5;
	v28 =	vld [tilespmem:s20+$0xFFFFFFD0];
	v31 =	vmul.f32 $9.998000260e-01, v25;
	v10 =	vmul.f32 $9.998000260e-01, v22  }
0x9d: {  	v30 =	vsub.f32 $9.998999830e-01, v5;
	v1 =	vmul.f32 $9.998000260e-01, v26;
	v0 =	vmul.f32 $1.442695020e+00, v0;
	v29 =	vpop (erf)  }
0x9e: {  	v44 =	vsub.f32 $1.000000000e+00, v11;
	v37 =	vadd.f32 $9.999999740e-05, v31;
	v13 =	vmul.f32 v29, v27  }
0x9f: {  	v36 =	vld [tilespmem:s20+$0xFFFFFFC0];
	v39 =	vadd.f32 $9.999999740e-05, v1;
	v40 =	vadd.f32 $9.999999740e-05, v10;
	(erf) = vpow2.f32 v0;
	v33 =	vpop (erf)  }
0xa0: {  	v12 =	vmul.f32 $9.998000260e-01, v24;
	v1 =	vsub.f32 $9.998999830e-01, v1;
	v32 =	vadd.f32 v13, v30;
	v35 =	vpop (erf)  }
0xa1: {  	v3 =	vmul.f32 $9.998000260e-01, v28;
	v0 =	vsub.f32 $9.998999830e-01, v31;
	v38 =	vpop (erf);
	v15 =	vmul.f32 v35, v37  }
0xa2: {  	v10 =	vsub.f32 $9.998999830e-01, v10;
	(erf) = vrcp.f32 v32;
	v4 =	vmul.f32 v38, v39;
	v41 =	vpop (erf)  }
0xa3: {  	v20 =	vadd.f32 $9.999999740e-05, v3;
	v15 =	vadd.f32 v15, v0;
	v42 =	vpop (erf)  }
0xa4: {  	v16 =	vmul.f32 $9.998000260e-01, v36;
	v34 =	vadd.f32 $9.999999740e-05, v12;
	v4 =	vadd.f32 v4, v1;
	v43 =	vpop (erf)  }
0xa5: {  	v3 =	vsub.f32 $9.998999830e-01, v3;
	(erf) = vrcp.f32 v15;
	v18 =	vmul.f32 v43, v20  }
0xa6: {  	[tilespmem:s16+$0x0] =	vst v11;
	v45 =	vadd.f32 $9.999999740e-05, v16;
	v14 =	vmul.f32 v41, v40;
	(erf) = vrcp.f32 v4  }
0xa7: {  	[tilespmem:s16+$0xFFFFFFD0] =	vst v8;
	v12 =	vsub.f32 $9.998999830e-01, v12;
	v13 =	vmul.f32 v33, v34;
	v46 =	vadd.f32 v18, v3  }
0xa8: {  	[tilespmem:s16+$0xFFFFFFC0] =	vst v9;
	v48 =	vsub.f32 $9.998999830e-01, v16;
	v47 =	vpop (erf);
	v14 =	vadd.f32 v14, v10  }
0xa9: {  	[tilespmem:s19+$0xFFFFFFD0] =	vst v7;
	v49 =	vadd.f32 v13, v12;
	v8 =	vmul.f32 v47, v45;
	(erf) = vrcp.f32 v46  }
0xaa: {  	v50 =	vsub.f32 $1.000000000e+00, v9;
	[tilespmem:s19+$0xFFFFFFE0] =	vst v6;
	v2 =	vmul.f32 v42, v63;
	(erf) = vrcp.f32 v14  }
0xab: {  	[tilespmem:s19+$0x0] =	vst v44;
	v51 =	vadd.f32 v8, v48;
	v52 =	vpop (erf);
	(erf) = vrcp.f32 v49  }
0xac: {  	s14 =	sadd.s32 $0x100, s18;
	[tilespmem:s19+$0xFFFFFFC0] =	vst v50;
	v53 =	vsub.f32 $1.000000000e+00, v2;
	v4 =	vmul.f32 v52, v30  }
0xad: {  	s15 =	sadd.s32 $0x100, s15;
	[tilespmem:s14+$0x30] =	vst v2;
	(erf) = vrcp.f32 v51  }
0xae: {  	[tilespmem:s15+$0x30] =	vst v53;
	v54 =	vsub.f32 $1.000000000e+00, v4;
	v55 =	vpop (erf)  }
0xaf: {  	[tilespmem:s14+$0x20] =	vst v4;
	v0 =	vmul.f32 v55, v0;
	v56 =	vpop (erf)  }
0xb0: {  	[tilespmem:s15+$0x20] =	vst v54;
	v1 =	vmul.f32 v56, v1  }
0xb1: {  	[tilespmem:s14+$0x10] =	vst v0;
	v0 =	vsub.f32 $1.000000000e+00, v0  }
0xb2: {  	[tilespmem:s14+$0xFFFFFFF0] =	vst v1;
	v1 =	vsub.f32 $1.000000000e+00, v1;
	v57 =	vpop (erf)  }
0xb3: {  	[tilespmem:s15+$0x10] =	vst v0;
	v58 =	vpop (erf);
	v60 =	vmul.f32 v57, v3  }
0xb4: {  	[tilespmem:s15+$0xFFFFFFF0] =	vst v1;
	v4 =	vmul.f32 v58, v10;
	v59 =	vpop (erf)  }
0xb5: {  	v0 =	vmul.f32 v59, v12;
	[tilespmem:s14+$0xFFFFFFD0] =	vst v60  }
0xb6: {  	v61 =	vpop (erf);
	v3 =	vsub.f32 $1.000000000e+00, v60;
	[tilespmem:s14+$0xFFFFFFE0] =	vst v4  }
0xb7: {  	v2 =	vmul.f32 v61, v48;
	[tilespmem:s14+$0x0] =	vst v0  }
0xb8: {  	v63 =	vsub.f32 $1.000000000e+00, v4;
	[tilespmem:s15+$0xFFFFFFD0] =	vst v3  }
0xb9: {  	v0 =	vsub.f32 $1.000000000e+00, v0;
	[tilespmem:s14+$0xFFFFFFC0] =	vst v2  }
0xba: {  	v62 =	vsub.f32 $1.000000000e+00, v2;
	[tilespmem:s15+$0xFFFFFFE0] =	vst v63  }
0xbb: {  	s17 =	sadd.s32 $0x0, s6;
	[tilespmem:s15+$0x0] =	vst v0  }
0xbc: {  	s16 =	simm.s32 $0x11900;
	s14 =	simm.s32 $0x11800;
	[tilespmem:s15+$0xFFFFFFC0] =	vst v62;
	s15 =	simm.s32 $0x10  }
.LBB2_6:
0xbd: {  	[hbm4b:s17+s2] =	stream.linear.scatter [tilespmem:s14], [sflag:$0x3], $0x80, $0x38;
	[tilespmem:$0x1B800] =	vst v63  }
0xbe: {  	s17 =	smov.u32 s15;
	s14 =	smov.u32 s16;
	p0 =	sne.s32 s15, $0x4F0  }
.Ltmp2:
0xbf: {  	s15 =	sadd.s32 $0x10, s15;
	(pc) =	sbr.rel @p0 .LBB2_6-.Ltmp2, $2  }
0xc0: {  	_ =	sdelay $0x2  }
0xc1: {  	s16 =	sadd.s32 $0x100, s16;
	s17 =	sadd.s32 s17, s6  }
0xc2: {  	[hbm4b:s17+s2] =	stream.linear.scatter [tilespmem:s14], [sflag:$0x3], $0x80, $0x38;
	[tilespmem:$0x1B800] =	vst v63  }
0xc3: {  	s14 =	simm.s32 $0x16800  }
0xc4: {  	s15 =	simm.s32 $0x10;
	s17 =	sadd.s32 $0x0, s7;
	s16 =	simm.s32 $0x16900  }
.LBB2_8:
0xc5: {  	[hbm4b:s17+s2] =	stream.linear.scatter [tilespmem:s14], [sflag:$0x3], $0x80, $0x38;
	[tilespmem:$0x1B800] =	vst v63  }
0xc6: {  	s17 =	smov.u32 s15;
	s14 =	smov.u32 s16;
	p0 =	sne.s32 s15, $0x4F0  }
.Ltmp3:
0xc7: {  	s15 =	sadd.s32 $0x10, s15;
	(pc) =	sbr.rel @p0 .LBB2_8-.Ltmp3, $2  }
0xc8: {  	_ =	sdelay $0x2  }
0xc9: {  	s16 =	sadd.s32 $0x100, s16;
	s17 =	sadd.s32 s17, s7  }
0xca: {  	[hbm4b:s17+s2] =	stream.linear.scatter [tilespmem:s14], [sflag:$0x3], $0x80, $0x38;
	[tilespmem:$0x1B800] =	vst v63  }
0xcb: {  	s13 =	sadd.s32 $0x1, s13  }
0xcc: {  	_ =	swait.ge [sflag:s12], $0x2800;
	p0 =	sne.s32 s13, s8  }
.Ltmp4:
0xcd: {  	[sflag:s12] =	ssyncset.done $0x0;
	(pc) =	sbr.rel @p0 .LBB2_1-.Ltmp4, $4  }
0xce: {  	[sflag:s12] =	ssyncadd.s32 $0xFFFFD800  }
0xcf: {  	_ =	swait.ge [sflag:s12], $0x2800  }
0xd0: {  	[sflag:s12] =	ssyncset.done $0x0  }
0xd1: {  	[sflag:s12] =	ssyncadd.s32 $0xFFFFD800  }
0xd2: {  	_ =	sfence.sel $0x180000  }
0xd3: {  	[bflag:$0x0] =	sbarrier.arrive $0xFFFF  }
0xd4: {  	p0 =	sne.s32 s0, $0x0;
	_ =	strace $0x90000047  }
0xd5: {  	s0 =	sadd.s32 @!p0 $0x100000, s1;
	[bflag:$0x2] =	sbarrier.arrive $0xFFFF  }
0xd6: {  	[sflag:s0] =	ssyncadd.tile.s32 @!p0 $0x1;
	_ =	shalt  }
.Lfunc_end2:
_tile_overlayer_lowered:
.L_overlay_start_2:
0xd7: {  	(tag) =	ssettag $0x2  }
0xd8: {  	s0 =	rddreg [dreg:$0x0];
	s2 =	stileid.u32  }
0xd9: {  	s1 =	rddreg [dreg:$0x1];
	p0 =	sne.s32 s2, $0x0  }
0xda: {  	s3 =	rddreg [dreg:$0x2];
	[bflag:$0x3] =	sbarrier.arrive $0xFFFF;
	s2 =	simm.s32 @!p0 $0x1C04  }
0xdb: {  	[timem:s3], [sflag:s2] =	dma.local @!p0 [hbm:s0], s1  }
0xdc: {  	s0 =	simm.s32 @!p0 $0x4  }
0xdd: {  	_ =	swait.ge @!p0 [sflag:s0], s1  }
0xde: {  	s1 =	ssub.s32 @!p0 $0x0, s1;
	[sflag:s0] =	ssyncset.done @!p0 $0x0  }
0xdf: {  	[sflag:s0] =	ssyncadd.s32 @!p0 s1  }
0xe0: {  	[bflag:$0x3] =	sbarrier.arrive $0xFFFF  }
0xe1: {  	_ =	shalt  }

</sc_bundles>
